<compile_context>
chip_gen: v7x
topology: tpu7x:2x2x1
jax: 0.10.2.dev20260603
libtpu: 0.0.44.dev20260713+nightly
codegen_flags: <defaults>
</compile_context>

<pallas_src>
import functools

import jax
import jax.numpy as jnp
from jax import lax
from jax.experimental import pallas as pl
from jax.experimental.pallas import tpu as pltpu
from jax.experimental.pallas import tpu_sc as plsc

NC = 2
NS = 16
L = 16
NW = NC * NS

N = 16 * 128 * 50
D = 256
MAX_LEN = 100
B_PER_W = N // NW
CHUNK = 128
NCHUNK = B_PER_W // CHUNK
QVECS = B_PER_W // L

_mesh = plsc.VectorSubcoreMesh(
    core_axis_name="c", subcore_axis_name="s", num_cores=NC, num_subcores=NS
)


def _pair_body(pe_ref, out_ref):
    i = pl.program_id(0)
    row = pe_ref[pl.ds(i, 1), :]
    out_ref[...] = (row[:, None, :] + pe_ref[...][None, :, :])


_pair_table = pl.pallas_call(
    _pair_body,
    grid=(MAX_LEN,),
    in_specs=[pl.BlockSpec((MAX_LEN, D), lambda i: (0, 0))],
    out_specs=pl.BlockSpec((1, MAX_LEN, D), lambda i: (i, 0, 0)),
    out_shape=jax.ShapeDtypeStruct((MAX_LEN, MAX_LEN, D), jnp.float32),
)


@functools.partial(
    pl.kernel,
    out_type=jax.ShapeDtypeStruct((N, D), jnp.float32),
    mesh=_mesh,
    scratch_types=[
        pltpu.VMEM((B_PER_W,), jnp.float32),
        pltpu.VMEM((B_PER_W,), jnp.float32),
        pltpu.VMEM((NCHUNK, CHUNK), jnp.int32),
        pltpu.VMEM((CHUNK, D), jnp.float32),
        pltpu.SemaphoreType.DMA,
    ],
)
def _sc_embed(x_hbm, y_hbm, pair_hbm, out_hbm, xv, yv, cidx, rows, sem):
    wid = lax.axis_index("s") * NC + lax.axis_index("c")
    base = wid * B_PER_W
    pltpu.sync_copy(x_hbm.at[pl.ds(base, B_PER_W)], xv)
    pltpu.sync_copy(y_hbm.at[pl.ds(base, B_PER_W)], yv)

    def _quant(v):
        norm = (v + 50.0) / 100.0
        return jnp.clip((norm * float(MAX_LEN - 1)).astype(jnp.int32), 0, MAX_LEN - 1)

    def qbody(i, carry):
        c = i // (CHUNK // L)
        k = i % (CHUNK // L)
        qx = _quant(xv[pl.ds(i * L, L)])
        qy = _quant(yv[pl.ds(i * L, L)])
        cidx[c, pl.ds(k * L, L)] = qx * MAX_LEN + qy
        return carry

    lax.fori_loop(0, QVECS, qbody, 0)

    def gbody(c, carry):
        pltpu.async_copy(pair_hbm.at[cidx.at[c]], rows, sem).wait()
        pltpu.sync_copy(rows, out_hbm.at[pl.ds(base + c * CHUNK, CHUNK)])
        return carry

    lax.fori_loop(0, NCHUNK, gbody, 0)


def kernel(coords, pe):
    lead = coords.shape[:-1]
    x = coords[..., 0].reshape(-1)
    y = coords[..., 1].reshape(-1)
    pair = _pair_table(pe).reshape(MAX_LEN * MAX_LEN, D)
    out = _sc_embed(x, y, pair)
    return out.reshape(lead + (pe.shape[1],))

# --- scband reference (transcript-rebuilt; emitter-appended) ---
"""Pipeline reference for scband-sinusoidal-position-embedding-16097537426165 (READ-ONLY COPY).

The authoritative reference and input builder live on the scoring server;
editing this copy changes nothing except your own understanding.
"""

import jax, jax.numpy as jnp
import numpy as np


def make_pe(d_model=256, max_len=100):
    position = np.arange(max_len, dtype=np.float64)[:, None]
    div_term = np.exp(np.arange(0, d_model, 2, dtype=np.float64) * (-np.log(10000.0) / d_model))
    pe = np.zeros((max_len, d_model), dtype=np.float32)
    pe[:, 0::2] = np.sin(position * div_term).astype(np.float32)
    pe[:, 1::2] = np.cos(position * div_term).astype(np.float32)
    return jnp.asarray(pe)


def setup_inputs(seed: int = 0) -> dict:
    key = jax.random.key(seed)
    coords = jax.random.normal(key, (16, 128, 50, 2), dtype=jnp.float32)
    pe = make_pe(d_model=256, max_len=100)
    return {"coords": coords, "pe": pe}


def reference(coords, pe):
    max_len = pe.shape[0]
    x_norm = (coords[..., 0] + 50.0) / 100.0
    y_norm = (coords[..., 1] + 50.0) / 100.0
    x_idx = jnp.clip((x_norm * (max_len - 1)).astype(jnp.int32), 0, max_len - 1)
    y_idx = jnp.clip((y_norm * (max_len - 1)).astype(jnp.int32), 0, max_len - 1)
    x_emb = jnp.take(pe, x_idx, axis=0)
    y_emb = jnp.take(pe, y_idx, axis=0)
    return x_emb + y_emb

if __name__ == "__main__":
    import jax
    _d = setup_inputs()
    print(jax.jit(kernel)(*tuple(_d.values())))

</pallas_src>

<mosaic_0001>
#map = affine_map<(d0, d1) -> (0)>
#map1 = affine_map<(d0, d1) -> (0, 0)>
module attributes {stable_mosaic.version = 14 : i64} {
  func.func @_sc_embed(%arg0: i32, %arg1: i32, %arg2: memref<102400xf32, #tpu.memory_space<hbm>>, %arg3: memref<102400xf32, #tpu.memory_space<hbm>>, %arg4: memref<10000x256xf32, #tpu.memory_space<hbm>>, %arg5: memref<102400x256xf32, #tpu.memory_space<hbm>>, %arg6: memref<3200xf32, #tpu.memory_space<vmem>>, %arg7: memref<3200xf32, #tpu.memory_space<vmem>>, %arg8: memref<25x128xi32, #tpu.memory_space<vmem>>, %arg9: memref<128x256xf32, #tpu.memory_space<vmem>>, %arg10: memref<!tpu.dma_semaphore, #tpu.memory_space<semaphore_mem>>) attributes {dimension_semantics = [#tpu.dimension_semantics<core_parallel>, #tpu.dimension_semantics<subcore_parallel>], iteration_bounds = array<i64: 2, 16>, scalar_prefetch = 0 : i64, scratch_operands = 5 : i64, tpu.core_type = #tpu.core_type<sc_vector_subcore>, window_params = [{transform_indices = #map}, {transform_indices = #map}, {transform_indices = #map1}, {transform_indices = #map1}]} {
    %mul3A = arith.constant 2 : i32
    %mul3A_0 = arith.muli %arg1, %mul3A : i32
    %add3A = arith.addi %mul3A_0, %arg0 : i32
    %mul3A_1 = arith.constant 3200 : i32
    %mul3A_2 = arith.muli %add3A, %mul3A_1 : i32
    "tpu.region"() ({
      %run_scoped3A = tpu.sem_alloc : memref<!tpu.dma_semaphore, #tpu.memory_space<semaphore_mem>>
      %dma_start3A = tpu.memref_slice %arg2[%mul3A_2] : memref<102400xf32, #tpu.memory_space<hbm>> -> memref<3200xf32, #tpu.memory_space<hbm>>
      %dma_start3A_14 = tpu.memref_slice %arg2[%mul3A_2] : memref<102400xf32, #tpu.memory_space<hbm>> -> memref<3200xf32, #tpu.memory_space<hbm>>
      tpu.enqueue_dma source(%dma_start3A_14 : memref<3200xf32, #tpu.memory_space<hbm>>) target(%arg6 : memref<3200xf32, #tpu.memory_space<vmem>>) target_semaphore(%run_scoped3A : memref<!tpu.dma_semaphore, #tpu.memory_space<semaphore_mem>>)
      %dma_wait3A = tpu.memref_slice %arg2[%mul3A_2] : memref<102400xf32, #tpu.memory_space<hbm>> -> memref<3200xf32, #tpu.memory_space<hbm>>
      %dma_wait3A_15 = tpu.memref_slice %arg2[%mul3A_2] : memref<102400xf32, #tpu.memory_space<hbm>> -> memref<3200xf32, #tpu.memory_space<hbm>>
      tpu.wait_dma2 semaphore(%run_scoped3A : memref<!tpu.dma_semaphore, #tpu.memory_space<semaphore_mem>>) src(%dma_wait3A_15 : memref<3200xf32, #tpu.memory_space<hbm>>) dst(%arg6 : memref<3200xf32, #tpu.memory_space<vmem>>)
      tpu.yield
    }) : () -> ()
    "tpu.region"() ({
      %run_scoped3A = tpu.sem_alloc : memref<!tpu.dma_semaphore, #tpu.memory_space<semaphore_mem>>
      %dma_start3A = tpu.memref_slice %arg3[%mul3A_2] : memref<102400xf32, #tpu.memory_space<hbm>> -> memref<3200xf32, #tpu.memory_space<hbm>>
      %dma_start3A_14 = tpu.memref_slice %arg3[%mul3A_2] : memref<102400xf32, #tpu.memory_space<hbm>> -> memref<3200xf32, #tpu.memory_space<hbm>>
      tpu.enqueue_dma source(%dma_start3A_14 : memref<3200xf32, #tpu.memory_space<hbm>>) target(%arg7 : memref<3200xf32, #tpu.memory_space<vmem>>) target_semaphore(%run_scoped3A : memref<!tpu.dma_semaphore, #tpu.memory_space<semaphore_mem>>)
      %dma_wait3A = tpu.memref_slice %arg3[%mul3A_2] : memref<102400xf32, #tpu.memory_space<hbm>> -> memref<3200xf32, #tpu.memory_space<hbm>>
      %dma_wait3A_15 = tpu.memref_slice %arg3[%mul3A_2] : memref<102400xf32, #tpu.memory_space<hbm>> -> memref<3200xf32, #tpu.memory_space<hbm>>
      tpu.wait_dma2 semaphore(%run_scoped3A : memref<!tpu.dma_semaphore, #tpu.memory_space<semaphore_mem>>) src(%dma_wait3A_15 : memref<3200xf32, #tpu.memory_space<hbm>>) dst(%arg7 : memref<3200xf32, #tpu.memory_space<vmem>>)
      tpu.yield
    }) : () -> ()
    %scan3A = arith.constant 0 : i32
    %scan3A_3 = arith.constant 0 : i32
    %scan3A_4 = arith.constant 200 : i32
    %scan3A_5 = arith.addi %scan3A_3, %scan3A_4 : i32
    %scan3A_6 = arith.constant 1 : i32
    scf.for %scan3A_14 = %scan3A_3 to %scan3A_5 step %scan3A_6  : i32 {
      %jit3A = arith.constant 8 : i32
      %div3A = arith.divsi %scan3A_14, %jit3A : i32
      %sign3A = arith.constant 0 : i32
      %sign3A_15 = arith.cmpi sgt, %scan3A_14, %sign3A : i32
      %sign3A_16 = arith.extui %sign3A_15 : i1 to i32
      %sign3A_17 = arith.constant 0 : i32
      %sign3A_18 = arith.cmpi slt, %scan3A_14, %sign3A_17 : i32
      %sign3A_19 = arith.extui %sign3A_18 : i1 to i32
      %sign3A_20 = arith.subi %sign3A_16, %sign3A_19 : i32
      %sign3A_21 = arith.constant 0 : i32
      %sign3A_22 = arith.cmpi sgt, %jit3A, %sign3A_21 : i32
      %sign3A_23 = arith.extui %sign3A_22 : i1 to i32
      %sign3A_24 = arith.constant 0 : i32
      %sign3A_25 = arith.cmpi slt, %jit3A, %sign3A_24 : i32
      %sign3A_26 = arith.extui %sign3A_25 : i1 to i32
      %sign3A_27 = arith.subi %sign3A_23, %sign3A_26 : i32
      %ne3A = arith.cmpi ne, %sign3A_20, %sign3A_27 : i32
      %rem3A = arith.remsi %scan3A_14, %jit3A : i32
      %ne3A_28 = arith.constant 0 : i32
      %ne3A_29 = arith.cmpi ne, %rem3A, %ne3A_28 : i32
      %and3A = arith.andi %ne3A, %ne3A_29 : i1
      %sub3A = arith.constant 1 : i32
      %sub3A_30 = arith.subi %div3A, %sub3A : i32
      %select_n3A = arith.select %and3A, %sub3A_30, %div3A : i32
      %jit3A_31 = arith.constant 8 : i32
      %eq3A = arith.constant 0 : i32
      %eq3A_32 = arith.cmpi eq, %jit3A_31, %eq3A : i32
      %jit3A_33 = arith.constant 1 : i32
      %select_n3A_34 = arith.select %eq3A_32, %jit3A_33, %jit3A_31 : i32
      %rem3A_35 = arith.remsi %scan3A_14, %select_n3A_34 : i32
      %ne3A_36 = arith.constant 0 : i32
      %ne3A_37 = arith.cmpi ne, %rem3A_35, %ne3A_36 : i32
      %lt3A = arith.constant 0 : i32
      %lt3A_38 = arith.cmpi slt, %rem3A_35, %lt3A : i32
      %lt3A_39 = arith.constant 0 : i32
      %lt3A_40 = arith.cmpi slt, %select_n3A_34, %lt3A_39 : i32
      %ne3A_41 = arith.xori %lt3A_38, %lt3A_40 : i1
      %and3A_42 = arith.andi %ne3A_41, %ne3A_37 : i1
      %add3A_43 = arith.addi %rem3A_35, %select_n3A_34 : i32
      %select_n3A_44 = arith.select %and3A_42, %add3A_43, %rem3A_35 : i32
      %mul3A_45 = arith.constant 16 : i32
      %mul3A_46 = arith.muli %scan3A_14, %mul3A_45 : i32
      %get3A = arith.index_cast %mul3A_46 : i32 to index
      %get3A_47 = tpu.vector_load %arg6[%get3A] {strides = array<i32>} : memref<3200xf32, #tpu.memory_space<vmem>>, vector<16xf32>,
      %get3A_48 = vector.shape_cast %get3A_47 : vector<16xf32> to vector<16xf32>
      %add3A_49 = arith.constant 5.000000e+01 : f32
      %add3A_50 = vector.broadcast %add3A_49 : f32 to vector<16xf32>
      %add3A_51 = arith.addf %get3A_48, %add3A_50 : vector<16xf32>
      %div3A_52 = arith.constant 1.000000e+02 : f32
      %div3A_53 = vector.broadcast %div3A_52 : f32 to vector<16xf32>
      %div3A_54 = arith.divf %add3A_51, %div3A_53 : vector<16xf32>
      %mul3A_55 = arith.constant 9.900000e+01 : f32
      %mul3A_56 = vector.broadcast %mul3A_55 : f32 to vector<16xf32>
      %mul3A_57 = arith.mulf %div3A_54, %mul3A_56 : vector<16xf32>
      %convert_element_type3A = arith.fptosi %mul3A_57 : vector<16xf32> to vector<16xi32>
      %jit3A_58 = arith.constant 0 : i32
      %jit3A_59 = arith.constant 99 : i32
      %max3A = vector.broadcast %jit3A_58 : i32 to vector<16xi32>
      %max3A_60 = arith.maxsi %max3A, %convert_element_type3A : vector<16xi32>
      %min3A = vector.broadcast %jit3A_59 : i32 to vector<16xi32>
      %min3A_61 = arith.minsi %min3A, %max3A_60 : vector<16xi32>
      %mul3A_62 = arith.constant 16 : i32
      %mul3A_63 = arith.muli %scan3A_14, %mul3A_62 : i32
      %get3A_64 = arith.index_cast %mul3A_63 : i32 to index
      %get3A_65 = tpu.vector_load %arg7[%get3A_64] {strides = array<i32>} : memref<3200xf32, #tpu.memory_space<vmem>>, vector<16xf32>,
      %get3A_66 = vector.shape_cast %get3A_65 : vector<16xf32> to vector<16xf32>
      %add3A_67 = arith.constant 5.000000e+01 : f32
      %add3A_68 = vector.broadcast %add3A_67 : f32 to vector<16xf32>
      %add3A_69 = arith.addf %get3A_66, %add3A_68 : vector<16xf32>
      %div3A_70 = arith.constant 1.000000e+02 : f32
      %div3A_71 = vector.broadcast %div3A_70 : f32 to vector<16xf32>
      %div3A_72 = arith.divf %add3A_69, %div3A_71 : vector<16xf32>
      %mul3A_73 = arith.constant 9.900000e+01 : f32
      %mul3A_74 = vector.broadcast %mul3A_73 : f32 to vector<16xf32>
      %mul3A_75 = arith.mulf %div3A_72, %mul3A_74 : vector<16xf32>
      %convert_element_type3A_76 = arith.fptosi %mul3A_75 : vector<16xf32> to vector<16xi32>
      %jit3A_77 = arith.constant 0 : i32
      %jit3A_78 = arith.constant 99 : i32
      %max3A_79 = vector.broadcast %jit3A_77 : i32 to vector<16xi32>
      %max3A_80 = arith.maxsi %max3A_79, %convert_element_type3A_76 : vector<16xi32>
      %min3A_81 = vector.broadcast %jit3A_78 : i32 to vector<16xi32>
      %min3A_82 = arith.minsi %min3A_81, %max3A_80 : vector<16xi32>
      %mul3A_83 = arith.constant 100 : i32
      %mul3A_84 = vector.broadcast %mul3A_83 : i32 to vector<16xi32>
      %mul3A_85 = arith.muli %min3A_61, %mul3A_84 : vector<16xi32>
      %add3A_86 = arith.addi %mul3A_85, %min3A_82 : vector<16xi32>
      %mul3A_87 = arith.constant 16 : i32
      %mul3A_88 = arith.muli %select_n3A_44, %mul3A_87 : i32
      %swap3A = arith.index_cast %select_n3A : i32 to index
      %swap3A_89 = arith.index_cast %mul3A_88 : i32 to index
      %swap3A_90 = tpu.vector_load %arg8[%swap3A, %swap3A_89] {strides = array<i32>} : memref<25x128xi32, #tpu.memory_space<vmem>>, vector<1x16xi32>,
      %swap3A_91 = vector.shape_cast %swap3A_90 : vector<1x16xi32> to vector<16xi32>
      %swap3A_92 = vector.shape_cast %add3A_86 : vector<16xi32> to vector<1x16xi32>
      tpu.vector_store %arg8[%swap3A, %swap3A_89], %swap3A_92 {strides = array<i32>} : memref<25x128xi32, #tpu.memory_space<vmem>>, vector<1x16xi32>,
    }
    %scan3A_7 = arith.constant 200 : i32
    %scan3A_8 = arith.constant 0 : i32
    %scan3A_9 = arith.constant 0 : i32
    %scan3A_10 = arith.constant 25 : i32
    %scan3A_11 = arith.addi %scan3A_9, %scan3A_10 : i32
    %scan3A_12 = arith.constant 1 : i32
    scf.for %scan3A_14 = %scan3A_9 to %scan3A_11 step %scan3A_12  : i32 {
      %dma_start3A = arith.constant 0 : i32
      %dma_start3A_15 = tpu.memref_slice %arg8[%scan3A_14, %dma_start3A] : memref<25x128xi32, #tpu.memory_space<vmem>> -> memref<1x128xi32, #tpu.memory_space<vmem>>
      %dma_start3A_16 = tpu.memref_squeeze %dma_start3A_15 : memref<1x128xi32, #tpu.memory_space<vmem>> -> memref<128xi32, #tpu.memory_space<vmem>>
      %dma_start3A_17 = arith.constant 0 : i32
      %dma_start3A_18 = arith.constant 0 : i32
      %dma_start3A_19 = tpu.memref_slice %arg4[%dma_start3A_17, %dma_start3A_18] : memref<10000x256xf32, #tpu.memory_space<hbm>> -> memref<10000x256xf32, #tpu.memory_space<hbm>>
      tpu.enqueue_indirect_dma source(%dma_start3A_19 : memref<10000x256xf32, #tpu.memory_space<hbm>>) target(%arg9 : memref<128x256xf32, #tpu.memory_space<vmem>>) offsets(%dma_start3A_16 : memref<128xi32, #tpu.memory_space<vmem>>) semaphore(%arg10 : memref<!tpu.dma_semaphore, #tpu.memory_space<semaphore_mem>>)
      %dma_wait3A = arith.constant 0 : i32
      %dma_wait3A_20 = tpu.memref_slice %arg8[%scan3A_14, %dma_wait3A] : memref<25x128xi32, #tpu.memory_space<vmem>> -> memref<1x128xi32, #tpu.memory_space<vmem>>
      %dma_wait3A_21 = tpu.memref_squeeze %dma_wait3A_20 : memref<1x128xi32, #tpu.memory_space<vmem>> -> memref<128xi32, #tpu.memory_space<vmem>>
      %dma_wait3A_22 = arith.constant 0 : i32
      %dma_wait3A_23 = arith.constant 0 : i32
      %dma_wait3A_24 = tpu.memref_slice %arg4[%dma_wait3A_22, %dma_wait3A_23] : memref<10000x256xf32, #tpu.memory_space<hbm>> -> memref<10000x256xf32, #tpu.memory_space<hbm>>
      tpu.wait_indirect_dma semaphore(%arg10 : memref<!tpu.dma_semaphore, #tpu.memory_space<semaphore_mem>>) src(%dma_wait3A_24 : memref<10000x256xf32, #tpu.memory_space<hbm>>) dst(%arg9 : memref<128x256xf32, #tpu.memory_space<vmem>>)
      %mul3A_25 = arith.constant 128 : i32
      %mul3A_26 = arith.muli %scan3A_14, %mul3A_25 : i32
      %add3A_27 = arith.addi %mul3A_2, %mul3A_26 : i32
      "tpu.region"() ({
        %run_scoped3A = tpu.sem_alloc : memref<!tpu.dma_semaphore, #tpu.memory_space<semaphore_mem>>
        %dma_start3A_28 = arith.constant 0 : i32
        %dma_start3A_29 = tpu.memref_slice %arg5[%add3A_27, %dma_start3A_28] : memref<102400x256xf32, #tpu.memory_space<hbm>> -> memref<128x256xf32, #tpu.memory_space<hbm>>
        %dma_start3A_30 = arith.constant 0 : i32
        %dma_start3A_31 = tpu.memref_slice %arg5[%add3A_27, %dma_start3A_30] : memref<102400x256xf32, #tpu.memory_space<hbm>> -> memref<128x256xf32, #tpu.memory_space<hbm>>
        tpu.enqueue_dma source(%arg9 : memref<128x256xf32, #tpu.memory_space<vmem>>) target(%dma_start3A_31 : memref<128x256xf32, #tpu.memory_space<hbm>>) target_semaphore(%run_scoped3A : memref<!tpu.dma_semaphore, #tpu.memory_space<semaphore_mem>>)
        %dma_wait3A_32 = arith.constant 0 : i32
        %dma_wait3A_33 = tpu.memref_slice %arg5[%add3A_27, %dma_wait3A_32] : memref<102400x256xf32, #tpu.memory_space<hbm>> -> memref<128x256xf32, #tpu.memory_space<hbm>>
        %dma_wait3A_34 = arith.constant 0 : i32
        %dma_wait3A_35 = tpu.memref_slice %arg5[%add3A_27, %dma_wait3A_34] : memref<102400x256xf32, #tpu.memory_space<hbm>> -> memref<128x256xf32, #tpu.memory_space<hbm>>
        tpu.wait_dma2 semaphore(%run_scoped3A : memref<!tpu.dma_semaphore, #tpu.memory_space<semaphore_mem>>) src(%arg9 : memref<128x256xf32, #tpu.memory_space<vmem>>) dst(%dma_wait3A_35 : memref<128x256xf32, #tpu.memory_space<hbm>>)
        tpu.yield
      }) : () -> ()
    }
    %scan3A_13 = arith.constant 25 : i32
    return
  }
}

module attributes {stable_mosaic.version = 14 : i64} {
  func.func @_pair_body(%arg0: i32, %arg1: memref<100x256xf32, #tpu.memory_space<vmem>>, %arg2: memref<1x100x256xf32, #tpu.memory_space<vmem>>) attributes {dimension_semantics = [#tpu.dimension_semantics<arbitrary>], iteration_bounds = array<i64: 100>, scalar_prefetch = 0 : i64, scratch_operands = 0 : i64, tpu.core_type = #tpu.core_type<tc>, window_params = [{pipeline_mode = #tpu.pipeline_mode<synchronous>, transform_indices = @transform_0, window_bounds = array<i64: 100, 256>}, {transform_indices = @transform_1, window_bounds = array<i64: 1, 100, 256>}]} {
    %get3A = arith.index_cast %arg0 : i32 to index
    %get3A_0 = arith.constant 0 : index
    %get3A_1 = vector.load %arg1[%get3A, %get3A_0] : memref<100x256xf32, #tpu.memory_space<vmem>>, vector<1x256xf32>
    %broadcast_in_dim3A = vector.shape_cast %get3A_1 : vector<1x256xf32> to vector<1x1x256xf32>
    %get3A_2 = arith.constant 0 : index
    %get3A_3 = arith.constant 0 : index
    %get3A_4 = vector.load %arg1[%get3A_2, %get3A_3] : memref<100x256xf32, #tpu.memory_space<vmem>>, vector<100x256xf32>
    %broadcast_in_dim3A_5 = vector.shape_cast %get3A_4 : vector<100x256xf32> to vector<1x100x256xf32>
    %add3A = vector.broadcast %broadcast_in_dim3A : vector<1x1x256xf32> to vector<1x100x256xf32>
    %add3A_6 = arith.addf %add3A, %broadcast_in_dim3A_5 : vector<1x100x256xf32>
    %swap3A = arith.constant 0 : index
    %swap3A_7 = arith.constant 0 : index
    %swap3A_8 = arith.constant 0 : index
    %swap3A_9 = vector.load %arg2[%swap3A, %swap3A_7, %swap3A_8] : memref<1x100x256xf32, #tpu.memory_space<vmem>>, vector<1x100x256xf32>
    tpu.vector_store %arg2[%swap3A, %swap3A_7, %swap3A_8], %add3A_6 {strides = array<i32>} : memref<1x100x256xf32, #tpu.memory_space<vmem>>, vector<1x100x256xf32>,
    return
  }
  func.func @transform_0(%arg0: i32) -> (i32, i32) {
    %c0_i32 = arith.constant 0 : i32
    %c0_i32_0 = arith.constant 0 : i32
    %c0_i32_1 = arith.constant 0 : i32
    return %c0_i32, %c0_i32_0 : i32, i32
  }
  func.func @transform_1(%arg0: i32) -> (i32, i32, i32) {
    %c0_i32 = arith.constant 0 : i32
    %c0_i32_0 = arith.constant 0 : i32
    %c0_i32_1 = arith.constant 0 : i32
    return %arg0, %c0_i32, %c0_i32_0 : i32, i32, i32
  }
}

</mosaic_0001>

<sc_bundles>
// kernel: kernel.4.cloned.1.call-start
scs
__scs_entry_jumppad:
0x0: {  	(pc) =	sbr.rel $0x88, $3  }
0x1: {  	(tag) =	ssettag $0x0;
	lr =	simm.s32 $0x1  }
0x2: {  	[smem:$0x3F9F] =	sst lr;
	_ =	strace $0xD0000000  }
0x3: {  	_ = 	snop  }
0x4: {  	_ = 	snop  }
0x5: {  	_ = 	snop  }
0x6: {  	_ = 	snop  }
0x7: {  	_ = 	snop  }
__scs_overlays_trampoline_lowered:
0x8: {  	[smem:$0x3FAE] =	sst s0  }
0x9: {  	[smem:$0x3FAF] =	sst s1  }
0xa: {  	[smem:$0x3FB0] =	sst s2  }
0xb: {  	[smem:$0x3FB1] =	sst s3  }
0xc: {  	[smem:$0x3FB2] =	sst s4  }
0xd: {  	[smem:$0x3FB3] =	sst s5  }
0xe: {  	[smem:$0x3FB4] =	sst s6  }
0xf: {  	[smem:$0x3FB5] =	sst s7  }
0x10: {  	[smem:$0x3FB6] =	sst s8  }
0x11: {  	[smem:$0x3FB7] =	sst s9;
	s0 =	simm.s32 @!p0 $0x0  }
0x12: {  	s1 =	sld [smem:$0x3F9D];
	s0 =	simm.s32 @p0 $0x1  }
0x13: {  	[smem:$0x3FB8] =	sst s0;
	s0 =	simm.s32 @!p1 $0x0  }
0x14: {  	s2 =	sld [smem:$0x3F9C];
	s0 =	simm.s32 @p1 $0x1  }
0x15: {  	[smem:$0x3FB9] =	sst s0;
	s0 =	simm.s32 @!p2 $0x0  }
0x16: {  	s3 =	sld [smem:$0x3FDB];
	s0 =	simm.s32 @p2 $0x1  }
0x17: {  	s4 =	simm.s32 $0x1BF5;
	[smem:$0x3FBB] =	sst s0  }
0x18: {  	s0 =	sld [smem:$0x3F9E];
	_ =	swait.ge [sflag:s4], $0x0  }
0x19: {  	s7 =	sld [smem:$0x3F9F]  }
0x1a: {  	s8 =	sadd.s32 $0xFFFFE003, lr  }
0x1b: {  	s9 =	sadd.s32 $0xFFFFFEF7, lr;
	s5 =	simm.s32 $0xFFFFFFFF;
	p2 =	slt.u32 s8, $0xFFFFF086  }
0x1c: {  	p1 =	slt.u32 s9, $0xF7A;
	s5 =	simm.s32 @!p2 $0x0  }
0x1d: {  	s5 =	simm.s32 @p1 $0x1;
	p0 =	seq.s32 s7, s2  }
0x1e: {  	s7 =	smul.u32 @!p0 $0xF7A, s2;
	p2 =	seq.s32 @!p0 s5, $0x0  }
0x1f: {  	s9 =	smul.u32 $0xF7A, s1;
	s8 =	simm.s32 @!p0 $0x1BF5;
	p2 =	por !p2, p0  }
0x20: {  	[sflag:s8] =	ssyncset.s32 @!p0 $0xFFFFF086;
	s6 =	sadd.s32 @!p0 s3, s7;
	s7 =	simm.s32 @!p0 $0x108  }
0x21: {  	s3 =	sadd.s32 s3, s9;
	s6 =	sadd.s32 @!p0 $0x88, s6;
	s7 =	simm.s32 @p2 $0x1082  }
0x22: {  	[simem:s7], [sflag:s8] =	dma.local @!p0 [hbm:s6], $0xF7A  }
0x23: {  	s9 =	sor.u32 $0xD0000000, s2;
	s6 =	simm.s32 $0x108;
	_ =	swait.ge @!p0 [sflag:s8], $0x0  }
0x24: {  	s3 =	sadd.s32 $0x88, s3;
	s6 =	simm.s32 @!p1 $0x1082;
	[sflag:s4] =	ssyncset.s32 $0xFFFFF086  }
0x25: {  	[simem:s6], [sflag:s4] =	dma.local [hbm:s3], $0xF7A  }
0x26: {  	[smem:$0x3F9F] =	sst s1;
	(tag) =	ssettag s2;
	_ =	strace s9  }
0x27: {  	s1 =	sld [smem:$0x3FAF]  }
0x28: {  	s2 =	sld [smem:$0x3FB0]  }
0x29: {  	s4 =	sld [smem:$0x3FB2]  }
0x2a: {  	p0 =	seq.s32 s5, $0x0;
	s5 =	sld [smem:$0x3FB3]  }
0x2b: {  	s6 =	sld [smem:$0x3FB4]  }
0x2c: {  	s7 =	sld [smem:$0x3FB5]  }
0x2d: {  	s3 =	simm.s32 $0x108;
	s8 =	sld [smem:$0x3FB6]  }
0x2e: {  	s3 =	simm.s32 @!p0 $0x1082;
	s9 =	sld [smem:$0x3FB7]  }
0x2f: {  	lr =	sadd.s32 s0, s3;
	s0 =	sld [smem:$0x3FAE]  }
0x30: {  	s3 =	sld [smem:$0x3FB1]  }
0x31: {  	[smem:$0x3FBA] =	sst s10  }
0x32: {  	s10 =	sld [smem:$0x3FB8];
	_ =	sdelay $0x3  }
0x33: {  	p0 =	seq.s32 s10, $0x1;
	s10 =	sld [smem:$0x3FBA];
	_ =	sdelay $0x3  }
0x34: {  	[smem:$0x3FBA] =	sst s10  }
0x35: {  	s10 =	sld [smem:$0x3FB9];
	_ =	sdelay $0x3  }
0x36: {  	p1 =	seq.s32 s10, $0x1;
	s10 =	sld [smem:$0x3FBA];
	_ =	sdelay $0x3  }
0x37: {  	[smem:$0x3FBA] =	sst s10  }
0x38: {  	s10 =	sld [smem:$0x3FBB]  }
0x39: {  	_ = 	snop;
	(pc) =	sbr.ind lr, $3  }
0x3a: {  	_ = 	snop  }
0x3b: {  	_ = 	snop  }
0x3c: {  	p2 =	seq.s32 s10, $0x1;
	s10 =	sld [smem:$0x3FBA]  }
0x3d: {  	_ =	shalt  }
0x3e: {  	_ =	shalt  }
0x3f: {  	_ =	shalt  }
0x40: {  	_ =	shalt  }
0x41: {  	_ =	shalt  }
0x42: {  	_ =	shalt  }
0x43: {  	_ =	shalt  }
0x44: {  	_ =	shalt  }
0x45: {  	_ =	shalt  }
0x46: {  	_ =	shalt  }
0x47: {  	_ =	shalt  }
0x48: {  	_ =	shalt  }
0x49: {  	_ =	shalt  }
0x4a: {  	_ =	shalt  }
0x4b: {  	_ =	shalt  }
0x4c: {  	_ =	shalt  }
0x4d: {  	_ =	shalt  }
0x4e: {  	_ =	shalt  }
0x4f: {  	_ =	shalt  }
0x50: {  	_ =	shalt  }
0x51: {  	_ =	shalt  }
0x52: {  	_ =	shalt  }
0x53: {  	_ =	shalt  }
0x54: {  	_ =	shalt  }
0x55: {  	_ =	shalt  }
0x56: {  	_ =	shalt  }
0x57: {  	_ =	shalt  }
0x58: {  	_ =	shalt  }
0x59: {  	_ =	shalt  }
0x5a: {  	_ =	shalt  }
0x5b: {  	_ =	shalt  }
0x5c: {  	_ =	shalt  }
0x5d: {  	_ =	shalt  }
0x5e: {  	_ =	shalt  }
0x5f: {  	_ =	shalt  }
0x60: {  	_ =	shalt  }
0x61: {  	_ =	shalt  }
0x62: {  	_ =	shalt  }
0x63: {  	_ =	shalt  }
0x64: {  	_ =	shalt  }
0x65: {  	_ =	shalt  }
0x66: {  	_ =	shalt  }
0x67: {  	_ =	shalt  }
0x68: {  	_ =	shalt  }
0x69: {  	_ =	shalt  }
0x6a: {  	_ =	shalt  }
0x6b: {  	_ =	shalt  }
0x6c: {  	_ =	shalt  }
0x6d: {  	_ =	shalt  }
0x6e: {  	_ =	shalt  }
0x6f: {  	_ =	shalt  }
0x70: {  	_ =	shalt  }
0x71: {  	_ =	shalt  }
0x72: {  	_ =	shalt  }
0x73: {  	_ =	shalt  }
0x74: {  	_ =	shalt  }
0x75: {  	_ =	shalt  }
0x76: {  	_ =	shalt  }
0x77: {  	_ =	shalt  }
0x78: {  	_ =	shalt  }
0x79: {  	_ =	shalt  }
0x7a: {  	_ =	shalt  }
0x7b: {  	_ =	shalt  }
0x7c: {  	_ =	shalt  }
0x7d: {  	_ =	shalt  }
0x7e: {  	_ =	shalt  }
0x7f: {  	_ =	shalt  }
0x80: {  	_ =	shalt  }
0x81: {  	_ =	shalt  }
0x82: {  	_ =	shalt  }
0x83: {  	_ =	shalt  }
0x84: {  	_ =	shalt  }
0x85: {  	_ =	shalt  }
0x86: {  	_ =	shalt  }
0x87: {  	_ =	shalt  }
.Lfunc_end0:
.L_simem_size_0:
called_computation.1_lowered:
.L_overlay_start_0:
0x88: {  	s2 =	sld [smem:$0x3FD9]  }
0x89: {  	s3 =	sld [smem:$0x3FFE];
	_ =	sdelay $0x1  }
0x8a: {  	s1 =	srdreg.scid  }
0x8b: {  	s0 =	sand.u32 $0x1, s1  }
0x8c: {  	s17 =	sshll.u32 s0, $0xA;
	s2 =	sadd.s32 s3, s2  }
0x8d: {  	s2 =	sadd.s32 s2, s17  }
0x8e: {  	[smem:$0x3FC6] =	sst s2  }
0x8f: {  	_ = 	snop  }
0x90: {  	s2 =	sld [smem:$0x3FD0];
	(tm) =	ssettm $0x1  }
0x91: {  	s18 =	sld [smem:$0x3FFB];
	_ =	sdelay $0x3  }
0x92: {  	_ =	strace s18  }
0x93: {  	s3 =	sld [smem:$0x3FFC];
	_ =	sdelay $0x3  }
0x94: {  	_ =	strace s3  }
0x95: {  	s3 =	sld [smem:$0x3FFD];
	_ =	sdelay $0x3  }
0x96: {  	_ =	strace s3  }
0x97: {  	_ =	strace $0x8FFFFFFF  }
0x98: {  	s19 =	sld [smem:$0x3FDB];
	_ =	sdelay $0x1  }
0x99: {  	s4 =	simm.s32 $_scs_section_size  }
0x9a: {  	s5 =	simm.s32 $_size__tile_overlayer_lowered;
	s6 =	simm.s32 $_tile_overlayer_lowered  }
0x9b: {  	s22 =	simm.s32 $0x1BFF;
	s21 =	sshll.u32 s6, $0x1;
	s3 =	sadd.s32 s4, s19  }
0x9c: {  	s7 =	simm.s32 $0x0;
	s20 =	sshll.u32 s5, $0x1;
	s5 =	sadd.s32 s21, s3  }
0x9d: {  	[timem:s7], [sflag:s22] =	dma.local [hbm:s5], s20  }
0x9e: {  	_ =	swait.ge [sflag:s22], s20  }
0x9f: {  	s4 =	ssub.s32 $0x0, s20;
	[sflag:s22] =	ssyncset.done $0x0  }
0xa0: {  	[sflag:s22] =	ssyncadd.s32 s4;
	_ =	sdelay $0x1  }
0xa1: {  	s23 =	simm.s32 $0x1B8B  }
0xa2: {  	_ =	swait.ge [sflag:s23], $0x1  }
0xa3: {  	[sflag:s23] =	ssyncset.done $0x0  }
0xa4: {  	s25 =	simm.s32 $0x1B8E;
	s24 =	sld [smem:$0x3FFE];
	[sflag:s23] =	ssyncadd.s32 $0xFFFFFFFF  }
0xa5: {  	s26 =	simm.s32 $execute0_lowered;
	[smem:$0x3FD2] =	sst s25  }
0xa6: {  	s5 =	sshll.u32 s26, $0x1;
	_ =	strace $0x80000046;
	[dreg:$0x1] =	wrdreg $0xFFFFFFFF  }
0xa7: {  	s28 =	simm.s32 $_size_execute0_lowered;
	s3 =	sadd.s32 s3, s5;
	[dreg:$0x0] =	wrdreg $0x0  }
0xa8: {  	s5 =	sshll.u32 s28, $0x1;
	[dreg:$0x2] =	wrdreg s3  }
0xa9: {  	[dreg:$0x3] =	wrdreg s5  }
0xaa: {  	[dreg:$0x4] =	wrdreg $0xC0  }
0xab: {  	_ =	task [dreg:s7], $0x5FFFF  }
0xac: {  	[dreg:$0x1] =	wrdreg $0xFFFFFFFF  }
0xad: {  	[dreg:$0x0] =	wrdreg $0x60  }
0xae: {  	[dreg:$0x2] =	wrdreg s24  }
0xaf: {  	[dreg:$0x3] =	wrdreg s2  }
0xb0: {  	[dreg:$0x4] =	wrdreg $0x9  }
0xb1: {  	_ =	task.clear_ibuf [dreg:s7], $0x5FFFF;
	_ =	strace $0x90000046  }
0xb2: {  	s29 =	simm.s32 $0x9;
	_ =	strace $0x80000048  }
0xb3: {  	_ =	swait.ge [sflag:s29], $0x1  }
0xb4: {  	[sflag:s29] =	ssyncadd.s32 $0xFFFFFFFF  }
0xb5: {  	_ =	strace $0x90000048  }
0xb6: {  	_ =	sfence  }
0xb7: {  	s30 =	sld [smem:$0x0];
	_ =	sdelay $0x2  }
0xb8: {  	s31 =	sshll.u32 s1, $0xD;
	s1 =	sshrl.u32 s1, $0x2  }
0xb9: {  	s3 =	sand.u32 $0x4000, s31;
	s1 =	sadd.s32 s1, s30  }
0xba: {  	s0 =	sor.u32 s3, s0;
	s1 =	sshll.u32 s1, $0x11  }
0xbb: {  	s0 =	sor.u32 s1, s0  }
0xbc: {  	s0 =	sadd.s32 $0x8F2B, s0  }
0xbd: {  	[sflag:s0] =	ssyncadd.remote.s32 $0x1  }
0xbe: {  	_ =	sfence.sel $0xFFFF  }
0xbf: {  	[dreg:$0x0] =	wrdreg $0xFFFFFFFF;
	(pc) =	sbr.abs _section_cstart, $3  }
0xc0: {  	[dreg:$0x1] =	wrdreg $0xFFFFFFFF  }
0xc1: {  	_ =	task.clear_ibuf [dreg:s7], $0x2FFFF;
	_ =	strace $0x9FFFFFFF  }
0xc2: {  	(tm) =	ssettm $0x7FFFFFFF  }
0xc3: {  	_ =	shalt  }
tec
execute0_lowered:
.L_overlay_start_1:
0x0: {  	(tag) =	ssettag $0x1  }
0x1: {  	s1 =	srdreg.scid;
	s0 =	stileid.u32  }
0x2: {  	s1 =	sand.u32 $0x1, s1;
	s2 =	sshll.u32 s0, $0x1  }
0x3: {  	s3 =	rddreg [dreg:$0x0];
	s2 =	sor.u32 s1, s2  }
0x4: {  	s7 =	rddreg [dreg:$0x1];
	s4 =	smul.u32 $0xC80, s2;
	s2 =	simm.s32 $0x0  }
0x5: {  	s9 =	simm.s32 $0xC80;
	[smem:$0x7FF] =	sst s2  }
0x6: {  	v0 =	vimm.f32 $1.000000000e+02;
	s10 =	simm.s32 $0x2900;
	s11 =	simm.s32 $0x3100;
	_ =	strace $0x80000047  }
0x7: {  	s12 =	simm.s32 $0x3900;
	s13 =	simm.s32 $0x4100;
	s14 =	simm.s32 $0x4900;
	(erf) = vrcp.f32 v0  }
0x8: {  	s15 =	simm.s32 $0x5100;
	s16 =	simm.s32 $0x5900;
	s17 =	simm.s32 $0x6100  }
0x9: {  	s18 =	simm.s32 $0x6900;
	s19 =	simm.s32 $0x7100;
	s20 =	simm.s32 $0x7900  }
0xa: {  	s21 =	simm.s32 $0x8100;
	s22 =	simm.s32 $0x8900;
	s23 =	simm.s32 $0x9100  }
0xb: {  	s24 =	simm.s32 $0x9900;
	s25 =	simm.s32 $0xA100;
	s8 =	smul.u32 $0x32000, s0  }
0xc: {  	s26 =	simm.s32 $0x1;
	s28 =	simm.s32 $0x0;
	s31 =	ssub.s32 $0x2, s1  }
0xd: {  	s1 =	smul.u32 $0x19000, s1;
	s6 =	sshrl.u32 s31, $0x1;
	s7 =	sadd.s32 s8, s7  }
0xe: {  	v3 =	vlaneseq.u32;
	s8 =	simm.s32 $0x2;
	s6 =	ssub.s32 s31, s6;
	s4 =	sshrl.u32 s4, $0x3  }
0xf: {  	vm0 =	vmmov $0xffff;
	v2 =	vshrl.u32 v3, $0x3;
	s7 =	sadd.s32 s1, s7;
	s6 =	smax.u32 s6, $0x1;
	s5 =	sadd.s32 s4, s3  }
0x10: {  	v2 =	vmul.u32 $0x8, v2;
	s3 =	sadd.s32 $0x7000, s3;
	v0 =	vand.u32 $0x7, v3;
	v3 =	vor.u32 $0x8, v3;
	s4 =	sadd.s32 $0x3E00, s5;
	s5 =	sadd.s32 $0xC00, s5;
	v1 =	vpop (erf)  }
.LBB2_1:
0x11: {  	[tilespmem:s2], [sflag:$0x2] =	stream.linear.gather [hbm4b:s4+s2], $0xC80, $0x38;
	[tilespmem:$0xA900] =	vst v63  }
0x12: {  	_ =	swait.ge [sflag:s8], $0xC80  }
0x13: {  	[sflag:s8] =	ssyncset.done $0x0  }
0x14: {  	[sflag:s8] =	ssyncadd.s32 $0xFFFFF380  }
0x15: {  	[tilespmem:s9], [sflag:$0x2] =	stream.linear.gather [hbm4b:s5+s2], $0xC80, $0x38;
	[tilespmem:$0xA900] =	vst v63  }
0x16: {  	_ =	swait.ge [sflag:s8], $0xC80  }
0x17: {  	[sflag:s8] =	ssyncset.done $0x0  }
0x18: {  	s1 =	simm.s32 $0x0;
	[sflag:s8] =	ssyncadd.s32 $0xFFFFF380  }
0x19: {  	v4 =	vld [tilespmem:s1+$0x0];
	_ =	sdelay $0x1  }
0x1a: {  	v5 =	vld [tilespmem:s1+$0xC80];
	_ =	sdelay $0x2  }
0x1b: {  	v4 =	vadd.f32 $5.000000000e+01, v4;
	_ =	sdelay $0x1  }
0x1c: {  	v5 =	vadd.f32 $5.000000000e+01, v5;
	v4 =	vmul.f32 v4, v1;
	_ =	sdelay $0x1  }
0x1d: {  	v5 =	vmul.f32 v5, v1;
	v4 =	vmul.f32 $9.900000000e+01, v4;
	_ =	sdelay $0x1  }
0x1e: {  	v5 =	vmul.f32 $9.900000000e+01, v5;
	v4 =	vtrunc.f32 v4  }
0x1f: {  	v4 =	vcvt.f32.s32 v4  }
0x20: {  	v5 =	vtrunc.f32 v5  }
0x21: {  	v5 =	vcvt.f32.s32 v5;
	vm1 =	vgt.s32 v4, $0x0  }
0x22: {  	v4 =	vnsel vm1, $0x0, v4  }
0x23: {  	vm1 =	vgt.s32 v5, $0x0;
	v4 =	vmin.u32 v4, $0x63  }
0x24: {  	s0 =	sand.u32 $0x3E00, s2;
	v5 =	vnsel vm1, $0x0, v5;
	v4 =	vmul.u32 $0x64, v4  }
0x25: {  	s30 =	sand.u32 $0x70, s2;
	s1 =	sshrl.u32 s0, $0x2;
	v5 =	vmin.u32 v5, $0x63  }
0x26: {  	s29 =	simm.s32 $0x40;
	s30 =	sor.u32 s30, s1;
	v4 =	vadd.s32 v5, v4  }
0x27: {  	s31 =	simm.s32 $0x80;
	s1 =	simm.s32 $0x10;
	[tilespmem:s30+$0x1900] =	vst v4;
	s30 =	simm.s32 $0x0  }
.LBB2_2:
0x28: {  	p0 =	sne.s32 s31, $0x31C0;
	v4 =	vld [tilespmem:s1+$0x0];
	_ =	sdelay $0x1  }
0x29: {  	v5 =	vld [tilespmem:s1+$0xC80];
	_ =	sdelay $0x2  }
0x2a: {  	v4 =	vadd.f32 $5.000000000e+01, v4;
	_ =	sdelay $0x1  }
0x2b: {  	v4 =	vmul.f32 v4, v1;
	v5 =	vadd.f32 $5.000000000e+01, v5;
	_ =	sdelay $0x1  }
0x2c: {  	v4 =	vmul.f32 $9.900000000e+01, v4;
	v5 =	vmul.f32 v5, v1;
	_ =	sdelay $0x1  }
0x2d: {  	v4 =	vtrunc.f32 v4;
	v5 =	vmul.f32 $9.900000000e+01, v5  }
0x2e: {  	v4 =	vcvt.f32.s32 v4  }
0x2f: {  	v5 =	vtrunc.f32 v5  }
0x30: {  	vm1 =	vgt.s32 v4, $0x0;
	v5 =	vcvt.f32.s32 v5  }
0x31: {  	v4 =	vnsel vm1, $0x0, v4  }
.Ltmp0:
0x32: {  	v4 =	vmin.u32 v4, $0x63;
	vm1 =	vgt.s32 v5, $0x0;
	(pc) =	sbr.rel @p0 .LBB2_2-.Ltmp0, $4  }
0x33: {  	s30 =	sadd.s32 $0x10, s30;
	s1 =	sand.u32 $0x3E00, s29;
	s29 =	smov.u32 s31;
	v5 =	vnsel vm1, $0x0, v5;
	v4 =	vmul.u32 $0x64, v4  }
0x34: {  	s0 =	sand.u32 $0x70, s30;
	s1 =	sshrl.u32 s1, $0x2;
	v5 =	vmin.u32 v5, $0x63  }
0x35: {  	s0 =	sor.u32 s0, s1;
	v4 =	vadd.s32 v5, v4  }
0x36: {  	s31 =	sadd.s32 $0x40, s31;
	s1 =	sshra.s32 s29, $0x2;
	[tilespmem:s0+$0x1900] =	vst v4  }
0x37: {  	v4 =	vld [tilespmem:s1+$0x0];
	_ =	sdelay $0x1  }
0x38: {  	v5 =	vld [tilespmem:s1+$0xC80];
	_ =	sdelay $0x2  }
0x39: {  	v4 =	vadd.f32 $5.000000000e+01, v4;
	_ =	sdelay $0x1  }
0x3a: {  	v5 =	vadd.f32 $5.000000000e+01, v5;
	v4 =	vmul.f32 v4, v1;
	_ =	sdelay $0x1  }
0x3b: {  	v5 =	vmul.f32 v5, v1;
	v4 =	vmul.f32 $9.900000000e+01, v4;
	_ =	sdelay $0x1  }
0x3c: {  	v5 =	vmul.f32 $9.900000000e+01, v5;
	v4 =	vtrunc.f32 v4  }
0x3d: {  	v4 =	vcvt.f32.s32 v4  }
0x3e: {  	v5 =	vtrunc.f32 v5  }
0x3f: {  	v5 =	vcvt.f32.s32 v5;
	vm1 =	vgt.s32 v4, $0x0  }
0x40: {  	v4 =	vnsel vm1, $0x0, v4  }
0x41: {  	vm1 =	vgt.s32 v5, $0x0;
	v4 =	vmin.u32 v4, $0x63  }
0x42: {  	s0 =	sand.u32 $0x3E00, s29;
	s31 =	sadd.s32 $0x10, s30;
	v5 =	vnsel vm1, $0x0, v5;
	v4 =	vmul.u32 $0x64, v4  }
0x43: {  	s1 =	sand.u32 $0x70, s31;
	s0 =	sshrl.u32 s0, $0x2;
	v5 =	vmin.u32 v5, $0x63  }
0x44: {  	s0 =	sor.u32 s1, s0;
	v4 =	vadd.s32 v5, v4  }
0x45: {  	s29 =	simm.s32 $0x0;
	s30 =	simm.s32 $0x1940;
	[tilespmem:s0+$0x1900] =	vst v4  }
.LBB2_4:
0x46: {  	v4 =	vld [tilespmem:s30+$0xFFFFFFC0];
	_ =	sdelay $0x4  }
0x47: {  	v5 =	vshll.u32 v4, $0x1  }
0x48: {  	v4 =	vand.u32 $0x7, v4;
	v5 =	vand.u32 $0xFFFFFFF0, v5  }
0x49: {  	v4 =	vor.u32 v4, v5  }
0x4a: {  	v5 =	vperm.xlane v4, v0;
	_ =	sdelay $0x1  }
0x4b: {  	v4 =	vperm.xlane v4, v3;
	v5 =	vadd.s32 v2, v5;
	_ =	sdelay $0x1  }
0x4c: {  	v4 =	vadd.s32 v2, v4;
	_ =	sdelay $0x2  }
0x4d: {  	[tilespmem:s10], [sflag:$0x1] =	stream.indirect_vreg.gather [hbm4b:s3+s2], $0x80, v5, vm0, $0xb8;
	[tilespmem:$0xA900] =	vst v63  }
0x4e: {  	_ = 	snop  }
0x4f: {  	[tilespmem:s11], [sflag:$0x1] =	stream.indirect_vreg.gather [hbm4b:s3+s2], $0x80, v4, vm0, $0xb8;
	[tilespmem:$0xA900] =	vst v63  }
0x50: {  	v4 =	vld [tilespmem:s30+$0xFFFFFFD0];
	_ =	sdelay $0x4  }
0x51: {  	v5 =	vshll.u32 v4, $0x1  }
0x52: {  	v4 =	vand.u32 $0x7, v4;
	v5 =	vand.u32 $0xFFFFFFF0, v5  }
0x53: {  	v4 =	vor.u32 v4, v5  }
0x54: {  	v5 =	vperm.xlane v4, v0;
	_ =	sdelay $0x1  }
0x55: {  	v4 =	vperm.xlane v4, v3;
	v5 =	vadd.s32 v2, v5;
	_ =	sdelay $0x1  }
0x56: {  	v4 =	vadd.s32 v2, v4;
	_ =	sdelay $0x2  }
0x57: {  	[tilespmem:s12], [sflag:$0x1] =	stream.indirect_vreg.gather [hbm4b:s3+s2], $0x80, v5, vm0, $0xb8;
	[tilespmem:$0xA900] =	vst v63  }
0x58: {  	_ = 	snop  }
0x59: {  	[tilespmem:s13], [sflag:$0x1] =	stream.indirect_vreg.gather [hbm4b:s3+s2], $0x80, v4, vm0, $0xb8;
	[tilespmem:$0xA900] =	vst v63  }
0x5a: {  	v4 =	vld [tilespmem:s30+$0xFFFFFFE0];
	_ =	sdelay $0x4  }
0x5b: {  	v5 =	vshll.u32 v4, $0x1  }
0x5c: {  	v4 =	vand.u32 $0x7, v4;
	v5 =	vand.u32 $0xFFFFFFF0, v5  }
0x5d: {  	v4 =	vor.u32 v4, v5  }
0x5e: {  	v5 =	vperm.xlane v4, v0;
	_ =	sdelay $0x1  }
0x5f: {  	v4 =	vperm.xlane v4, v3;
	v5 =	vadd.s32 v2, v5;
	_ =	sdelay $0x1  }
0x60: {  	v4 =	vadd.s32 v2, v4;
	_ =	sdelay $0x2  }
0x61: {  	[tilespmem:s14], [sflag:$0x1] =	stream.indirect_vreg.gather [hbm4b:s3+s2], $0x80, v5, vm0, $0xb8;
	[tilespmem:$0xA900] =	vst v63  }
0x62: {  	_ = 	snop  }
0x63: {  	[tilespmem:s15], [sflag:$0x1] =	stream.indirect_vreg.gather [hbm4b:s3+s2], $0x80, v4, vm0, $0xb8;
	[tilespmem:$0xA900] =	vst v63  }
0x64: {  	v4 =	vld [tilespmem:s30+$0xFFFFFFF0];
	_ =	sdelay $0x4  }
0x65: {  	v5 =	vshll.u32 v4, $0x1  }
0x66: {  	v4 =	vand.u32 $0x7, v4;
	v5 =	vand.u32 $0xFFFFFFF0, v5  }
0x67: {  	v4 =	vor.u32 v4, v5  }
0x68: {  	v5 =	vperm.xlane v4, v0;
	_ =	sdelay $0x1  }
0x69: {  	v4 =	vperm.xlane v4, v3;
	v5 =	vadd.s32 v2, v5;
	_ =	sdelay $0x1  }
0x6a: {  	v4 =	vadd.s32 v2, v4;
	_ =	sdelay $0x2  }
0x6b: {  	[tilespmem:s16], [sflag:$0x1] =	stream.indirect_vreg.gather [hbm4b:s3+s2], $0x80, v5, vm0, $0xb8;
	[tilespmem:$0xA900] =	vst v63  }
0x6c: {  	_ = 	snop  }
0x6d: {  	[tilespmem:s17], [sflag:$0x1] =	stream.indirect_vreg.gather [hbm4b:s3+s2], $0x80, v4, vm0, $0xb8;
	[tilespmem:$0xA900] =	vst v63  }
0x6e: {  	v4 =	vld [tilespmem:s30+$0x0];
	_ =	sdelay $0x4  }
0x6f: {  	v5 =	vshll.u32 v4, $0x1  }
0x70: {  	v4 =	vand.u32 $0x7, v4;
	v5 =	vand.u32 $0xFFFFFFF0, v5  }
0x71: {  	v4 =	vor.u32 v4, v5  }
0x72: {  	v5 =	vperm.xlane v4, v0;
	_ =	sdelay $0x1  }
0x73: {  	v4 =	vperm.xlane v4, v3;
	v5 =	vadd.s32 v2, v5;
	_ =	sdelay $0x1  }
0x74: {  	v4 =	vadd.s32 v2, v4;
	_ =	sdelay $0x2  }
0x75: {  	[tilespmem:s18], [sflag:$0x1] =	stream.indirect_vreg.gather [hbm4b:s3+s2], $0x80, v5, vm0, $0xb8;
	[tilespmem:$0xA900] =	vst v63  }
0x76: {  	_ = 	snop  }
0x77: {  	[tilespmem:s19], [sflag:$0x1] =	stream.indirect_vreg.gather [hbm4b:s3+s2], $0x80, v4, vm0, $0xb8;
	[tilespmem:$0xA900] =	vst v63  }
0x78: {  	v4 =	vld [tilespmem:s30+$0x10];
	_ =	sdelay $0x4  }
0x79: {  	v5 =	vshll.u32 v4, $0x1  }
0x7a: {  	v4 =	vand.u32 $0x7, v4;
	v5 =	vand.u32 $0xFFFFFFF0, v5  }
0x7b: {  	v4 =	vor.u32 v4, v5  }
0x7c: {  	v5 =	vperm.xlane v4, v0;
	_ =	sdelay $0x1  }
0x7d: {  	v4 =	vperm.xlane v4, v3;
	v5 =	vadd.s32 v2, v5;
	_ =	sdelay $0x1  }
0x7e: {  	v4 =	vadd.s32 v2, v4;
	_ =	sdelay $0x2  }
0x7f: {  	[tilespmem:s20], [sflag:$0x1] =	stream.indirect_vreg.gather [hbm4b:s3+s2], $0x80, v5, vm0, $0xb8;
	[tilespmem:$0xA900] =	vst v63  }
0x80: {  	_ = 	snop  }
0x81: {  	[tilespmem:s21], [sflag:$0x1] =	stream.indirect_vreg.gather [hbm4b:s3+s2], $0x80, v4, vm0, $0xb8;
	[tilespmem:$0xA900] =	vst v63  }
0x82: {  	v4 =	vld [tilespmem:s30+$0x20];
	_ =	sdelay $0x4  }
0x83: {  	v5 =	vshll.u32 v4, $0x1  }
0x84: {  	v4 =	vand.u32 $0x7, v4;
	v5 =	vand.u32 $0xFFFFFFF0, v5  }
0x85: {  	v4 =	vor.u32 v4, v5  }
0x86: {  	v5 =	vperm.xlane v4, v0;
	_ =	sdelay $0x1  }
0x87: {  	v4 =	vperm.xlane v4, v3;
	v5 =	vadd.s32 v2, v5;
	_ =	sdelay $0x1  }
0x88: {  	v4 =	vadd.s32 v2, v4;
	_ =	sdelay $0x2  }
0x89: {  	[tilespmem:s22], [sflag:$0x1] =	stream.indirect_vreg.gather [hbm4b:s3+s2], $0x80, v5, vm0, $0xb8;
	[tilespmem:$0xA900] =	vst v63  }
0x8a: {  	_ = 	snop  }
0x8b: {  	[tilespmem:s23], [sflag:$0x1] =	stream.indirect_vreg.gather [hbm4b:s3+s2], $0x80, v4, vm0, $0xb8;
	[tilespmem:$0xA900] =	vst v63  }
0x8c: {  	v4 =	vld [tilespmem:s30+$0x30];
	_ =	sdelay $0x4  }
0x8d: {  	v5 =	vshll.u32 v4, $0x1  }
0x8e: {  	v4 =	vand.u32 $0x7, v4;
	v5 =	vand.u32 $0xFFFFFFF0, v5  }
0x8f: {  	v4 =	vor.u32 v4, v5  }
0x90: {  	v5 =	vperm.xlane v4, v0;
	_ =	sdelay $0x1  }
0x91: {  	v4 =	vperm.xlane v4, v3;
	v5 =	vadd.s32 v2, v5;
	_ =	sdelay $0x1  }
0x92: {  	v4 =	vadd.s32 v2, v4;
	_ =	sdelay $0x2  }
0x93: {  	[tilespmem:s24], [sflag:$0x1] =	stream.indirect_vreg.gather [hbm4b:s3+s2], $0x80, v5, vm0, $0xb8;
	[tilespmem:$0xA900] =	vst v63  }
0x94: {  	_ = 	snop  }
0x95: {  	[tilespmem:s25], [sflag:$0x1] =	stream.indirect_vreg.gather [hbm4b:s3+s2], $0x80, v4, vm0, $0xb8;
	[tilespmem:$0xA900] =	vst v63  }
0x96: {  	_ =	swait.ge [sflag:s26], $0x8000  }
0x97: {  	p0 =	sne.s32 s29, $0x18000;
	[sflag:s26] =	ssyncset.done $0x0  }
.Ltmp1:
0x98: {  	s0 =	sadd.s32 s29, s7;
	[sflag:s26] =	ssyncadd.s32 $0xFFFF8000;
	(pc) =	sbr.rel @p0 .LBB2_4-.Ltmp1, $4  }
0x99: {  	[hbm4b:s0+s2] =	stream.linear.scatter [tilespmem:s10], [sflag:$0x2], $0x8000, $0x38;
	[tilespmem:$0xA900] =	vst v63  }
0x9a: {  	_ =	swait.ge [sflag:s8], $0x8000  }
0x9b: {  	[sflag:s8] =	ssyncset.done $0x0  }
0x9c: {  	s29 =	sadd.s32 $0x1000, s29;
	s30 =	sadd.s32 $0x80, s30;
	[sflag:s8] =	ssyncadd.s32 $0xFFFF8000  }
0x9d: {  	s28 =	sadd.s32 $0x1, s28  }
0x9e: {  	p0 =	sne.s32 s28, s6  }
.Ltmp2:
0x9f: {  	_ = 	snop;
	(pc) =	sbr.rel @p0 .LBB2_1-.Ltmp2, $1  }
0xa0: {  	_ =	sdelay $0x3  }
0xa1: {  	_ =	sfence.sel $0x180000  }
0xa2: {  	[bflag:$0x0] =	sbarrier.arrive $0xFFFF  }
0xa3: {  	_ =	strace $0x90000047  }
0xa4: {  	s0 =	stileid.u32;
	[bflag:$0x2] =	sbarrier.arrive $0xFFFF  }
0xa5: {  	p0 =	sne.s32 s0, $0x0;
	s0 =	rddreg [dreg:$0x2]  }
0xa6: {  	s0 =	sadd.s32 @!p0 $0x100000, s0  }
0xa7: {  	[sflag:s0] =	ssyncadd.tile.s32 @!p0 $0x1;
	_ =	shalt  }
.Lfunc_end2:
_tile_overlayer_lowered:
.L_overlay_start_2:
0xa8: {  	(tag) =	ssettag $0x2  }
0xa9: {  	s0 =	rddreg [dreg:$0x0];
	s2 =	stileid.u32  }
0xaa: {  	s1 =	rddreg [dreg:$0x1];
	p0 =	sne.s32 s2, $0x0  }
0xab: {  	s3 =	rddreg [dreg:$0x2];
	[bflag:$0x3] =	sbarrier.arrive $0xFFFF;
	s2 =	simm.s32 @!p0 $0x1C02  }
0xac: {  	[timem:s3], [sflag:s2] =	dma.local @!p0 [hbm:s0], s1  }
0xad: {  	s0 =	simm.s32 @!p0 $0x2  }
0xae: {  	_ =	swait.ge @!p0 [sflag:s0], s1  }
0xaf: {  	s1 =	ssub.s32 @!p0 $0x0, s1;
	[sflag:s0] =	ssyncset.done @!p0 $0x0  }
0xb0: {  	[sflag:s0] =	ssyncadd.s32 @!p0 s1  }
0xb1: {  	[bflag:$0x3] =	sbarrier.arrive $0xFFFF  }
0xb2: {  	_ =	shalt  }

// kernel: sparse-core-data-format-call.cloned.1.call-start
scs
called_computation_lowered:
.L_overlay_start_0:
0x0: {  	s2 =	sld [smem:$0x3FD9]  }
0x1: {  	s3 =	sld [smem:$0x3FFE];
	_ =	sdelay $0x1  }
0x2: {  	s1 =	srdreg.scid  }
0x3: {  	s0 =	sand.u32 $0x1, s1  }
0x4: {  	s18 =	sshll.u32 s0, $0xA;
	s2 =	sadd.s32 s3, s2  }
0x5: {  	s2 =	sadd.s32 s2, s18  }
0x6: {  	[smem:$0x3FC6] =	sst s2  }
0x7: {  	_ = 	snop  }
0x8: {  	s2 =	sld [smem:$0x3FD0];
	(tm) =	ssettm $0x1  }
0x9: {  	s19 =	sld [smem:$0x3FFB];
	_ =	sdelay $0x3  }
0xa: {  	_ =	strace s19  }
0xb: {  	s3 =	sld [smem:$0x3FFC];
	_ =	sdelay $0x3  }
0xc: {  	_ =	strace s3  }
0xd: {  	s3 =	sld [smem:$0x3FFD];
	_ =	sdelay $0x3  }
0xe: {  	_ =	strace s3  }
0xf: {  	_ =	strace $0x8FFFFFFF  }
0x10: {  	s20 =	sld [smem:$0x3FDB];
	_ =	sdelay $0x1  }
0x11: {  	s4 =	simm.s32 $_scs_section_size  }
0x12: {  	s5 =	simm.s32 $_size__tile_overlayer_lowered;
	s6 =	simm.s32 $_tile_overlayer_lowered  }
0x13: {  	s23 =	simm.s32 $0x1BFF;
	s22 =	sshll.u32 s6, $0x1;
	s3 =	sadd.s32 s4, s20  }
0x14: {  	s7 =	simm.s32 $0x0;
	s21 =	sshll.u32 s5, $0x1;
	s5 =	sadd.s32 s22, s3  }
0x15: {  	[timem:s7], [sflag:s23] =	dma.local [hbm:s5], s21  }
0x16: {  	_ =	swait.ge [sflag:s23], s21  }
0x17: {  	s4 =	ssub.s32 $0x0, s21;
	[sflag:s23] =	ssyncset.done $0x0  }
0x18: {  	[sflag:s23] =	ssyncadd.s32 s4;
	_ =	sdelay $0x1  }
0x19: {  	s24 =	simm.s32 $0x1B8B  }
0x1a: {  	_ =	swait.ge [sflag:s24], $0x1  }
0x1b: {  	[sflag:s24] =	ssyncset.done $0x0  }
0x1c: {  	s26 =	simm.s32 $0x1B8E;
	s25 =	sld [smem:$0x3FFE];
	[sflag:s24] =	ssyncadd.s32 $0xFFFFFFFF  }
0x1d: {  	s27 =	simm.s32 $execute0_lowered;
	[smem:$0x3FD2] =	sst s26  }
0x1e: {  	s5 =	sshll.u32 s27, $0x1;
	_ =	strace $0x80000049;
	[dreg:$0x1] =	wrdreg $0xFFFFFFFF  }
0x1f: {  	s28 =	simm.s32 $_size_execute0_lowered;
	s3 =	sadd.s32 s3, s5;
	[dreg:$0x0] =	wrdreg $0x0  }
0x20: {  	s5 =	sshll.u32 s28, $0x1;
	[dreg:$0x2] =	wrdreg s3  }
0x21: {  	[dreg:$0x3] =	wrdreg s5  }
0x22: {  	[dreg:$0x4] =	wrdreg $0xC0  }
0x23: {  	_ =	task [dreg:s7], $0x5FFFF  }
0x24: {  	[dreg:$0x1] =	wrdreg $0xFFFFFFFF  }
0x25: {  	[dreg:$0x0] =	wrdreg $0x60  }
0x26: {  	[dreg:$0x2] =	wrdreg s25  }
0x27: {  	[dreg:$0x3] =	wrdreg s2  }
0x28: {  	[dreg:$0x4] =	wrdreg $0x9  }
0x29: {  	_ =	task.clear_ibuf [dreg:s7], $0x5FFFF;
	_ =	strace $0x90000049  }
0x2a: {  	s29 =	simm.s32 $0x9;
	_ =	strace $0x8000004B  }
0x2b: {  	_ =	swait.ge [sflag:s29], $0x1  }
0x2c: {  	[sflag:s29] =	ssyncadd.s32 $0xFFFFFFFF  }
0x2d: {  	_ =	strace $0x9000004B  }
0x2e: {  	_ =	sfence  }
0x2f: {  	s30 =	sld [smem:$0x0];
	_ =	sdelay $0x2  }
0x30: {  	s31 =	sshll.u32 s1, $0xD;
	s1 =	sshrl.u32 s1, $0x2  }
0x31: {  	s3 =	sand.u32 $0x4000, s31;
	s1 =	sadd.s32 s1, s30  }
0x32: {  	s0 =	sor.u32 s3, s0;
	s1 =	sshll.u32 s1, $0x11  }
0x33: {  	s0 =	sor.u32 s1, s0  }
0x34: {  	s0 =	sadd.s32 $0x8F2B, s0  }
0x35: {  	[sflag:s0] =	ssyncadd.remote.s32 $0x1  }
0x36: {  	_ =	sfence.sel $0xFFFF  }
0x37: {  	[dreg:$0x0] =	wrdreg $0xFFFFFFFF;
	(pc) =	sbr.abs _section_cstart, $3  }
0x38: {  	[dreg:$0x1] =	wrdreg $0xFFFFFFFF  }
0x39: {  	_ =	task.clear_ibuf [dreg:s7], $0x2FFFF;
	_ =	strace $0x9FFFFFFF  }
0x3a: {  	(tm) =	ssettm $0x7FFFFFFF  }
0x3b: {  	_ =	shalt  }
tec
execute0_lowered:
.L_overlay_start_1:
0x0: {  	(tag) =	ssettag $0x1  }
0x1: {  	s3 =	rddreg [dreg:$0x0]  }
0x2: {  	s0 =	srdreg.scid;
	s2 =	rddreg [dreg:$0x1]  }
0x3: {  	s31 =	simm.s32 $0x2;
	s19 =	simm.s32 $0x0;
	s9 =	simm.s32 $0x400  }
0x4: {  	s10 =	simm.s32 $0x800;
	s11 =	simm.s32 $0x0;
	s0 =	sshll.u32 s0, $0x7  }
0x5: {  	s16 =	simm.s32 $0x0;
	s17 =	simm.s32 $0x0;
	s1 =	sand.u32 $0x80, s0  }
0x6: {  	s18 =	simm.s32 $0x0;
	s12 =	simm.s32 $0x0;
	s4 =	ssub.s32 $0x100, s1  }
0x7: {  	s13 =	simm.s32 $0x0;
	s14 =	stileid.u32;
	s5 =	sshrl.u32 s4, $0x7  }
.Ltmp0:
0x8: {  	s6 =	sshrl.u32 s4, $0x8;
	s7 =	sand.u32 $0x1, s5;
	(pc) =	sbr.rel .LBB1_1-.Ltmp0, $4  }
0x9: {  	s15 =	simm.s32 $0x0;
	s0 =	rddreg [dreg:$0x2];
	s30 =	sadd.s32 s6, s7  }
0xa: {  	_ =	strace $0x8000004A;
	s5 =	simm.s32 $0x1;
	s6 =	smul.u32 $0x32, s30  }
0xb: {  	s4 =	sadd.s32 $0xC00, s3;
	s3 =	stileid.u32;
	[sflag:s5] =	ssyncpa.u1 $0x0  }
0xc: {  	s7 =	sshll.u32 s1, $0x3;
	[sflag:s31] =	ssyncpa.u1 $0x0;
	s8 =	sor.u32 $0x1, s6  }
.LBB1_4:
0xd: {  	_ =	sdelay $0x3  }
0xe: {  	[tilespmem:v0+s22+$0xFFFFFFD0 ss:$0x1] =	vst.idx.msk $0xffff, v6  }
0xf: {  	v56 =	vld.idx.msk [tilespmem:v1+s21+$0x0 ss:$0x1], $0xffff;
	[tilespmem:v0+s22+$0xFFFFFFE0 ss:$0x1] =	vst.idx.msk $0xffff, v4  }
0x10: {  	v57 =	vld.idx.msk [tilespmem:v1+s21+$0xFFFFFF90 ss:$0x1], $0xffff;
	[tilespmem:v0+s22+$0xFFFFFFF0 ss:$0x1] =	vst.idx.msk $0xffff, v2  }
0x11: {  	v58 =	vld.idx.msk [tilespmem:v1+s21+$0xFFFFFFA0 ss:$0x1], $0xffff;
	[tilespmem:v0+s22+$0x0 ss:$0x1] =	vst.idx.msk $0xffff, v3  }
0x12: {  	v59 =	vld.idx.msk [tilespmem:v1+s21+$0xFFFFFFB0 ss:$0x1], $0xffff;
	[tilespmem:v0+s22+$0x10 ss:$0x1] =	vst.idx.msk $0xffff, v5  }
0x13: {  	v60 =	vld.idx.msk [tilespmem:v1+s21+$0xFFFFFFC0 ss:$0x1], $0xffff;
	[tilespmem:v0+s22+$0x20 ss:$0x1] =	vst.idx.msk $0xffff, v7  }
0x14: {  	v61 =	vld.idx.msk [tilespmem:v1+s21+$0xFFFFFFD0 ss:$0x1], $0xffff;
	[tilespmem:v0+s21+$0x30 ss:$0x1] =	vst.idx.msk $0xffff, v56  }
0x15: {  	s28 =	sshll.u32 s17, $0x8;
	v62 =	vld.idx.msk [tilespmem:v1+s21+$0xFFFFFFE0 ss:$0x1], $0xffff;
	s19 =	sshll.u32 s19, $0x3;
	[tilespmem:v0+s21+$0xFFFFFFC0 ss:$0x1] =	vst.idx.msk $0xffff, v57  }
0x16: {  	s23 =	sshll.u32 s17, $0x7;
	v63 =	vld.idx.msk [tilespmem:v1+s21+$0xFFFFFFF0 ss:$0x1], $0xffff;
	s18 =	smul.u32 $0x32000, s18;
	s22 =	sand.u32 $0x7800, s28;
	[tilespmem:v0+s21+$0xFFFFFFD0 ss:$0x1] =	vst.idx.msk $0xffff, v58  }
0x17: {  	s16 =	sshll.u32 s16, $0xC;
	s29 =	sand.u32 $0x300, s23;
	s19 =	sor.u32 s22, s19;
	[tilespmem:v0+s21+$0xFFFFFFE0 ss:$0x1] =	vst.idx.msk $0xffff, v59  }
0x18: {  	s30 =	sshll.u32 s17, $0x4;
	s18 =	sadd.s32 s2, s18;
	s19 =	sor.u32 s29, s19;
	[tilespmem:v0+s21+$0xFFFFFFF0 ss:$0x1] =	vst.idx.msk $0xffff, v60  }
0x19: {  	s17 =	sand.u32 $0x10, s30;
	s16 =	sadd.s32 s16, s18;
	s19 =	sshrl.u32 s19, $0x3;
	[tilespmem:v0+s21+$0x0 ss:$0x1] =	vst.idx.msk $0xffff, v61  }
0x1a: {  	s16 =	sadd.s32 s17, s16;
	[tilespmem:v0+s21+$0x10 ss:$0x1] =	vst.idx.msk $0xffff, v62;
	s31 =	sand.u32 $0xFE0, s19  }
0x1b: {  	[tilespmem:v0+s21+$0x20 ss:$0x1] =	vst.idx.msk $0xffff, v63;
	s16 =	sadd.s32 s31, s16  }
0x1c: {  	[hbm4b:s16+s9] =	stream.strided.scatter [tilespmem:s20], [sflag:$0x2], $0x4000, s10, s9, $0x38;
	[tilespmem:$0x10000] =	vst v63  }
.LBB1_5:
0x1d: {  	s20 =	sadd.s32 $0x1, s12  }
0x1e: {  	s16 =	sadd.s32 $0x80, s13;
	s21 =	smov.u32 s13;
	p1 =	sgt.s32 s20, $0x31  }
0x1f: {  	s21 =	smov.u32 @p1 s16  }
0x20: {  	s22 =	smov.u32 s14;
	s16 =	sadd.s32 $0x10, s14;
	p2 =	sgt.s32 s21, $0x7F  }
0x21: {  	s22 =	smov.u32 @p2 s16  }
0x22: {  	s20 =	simm.s32 @p1 $0x0;
	p1 =	sgt.s32 s22, $0xF  }
0x23: {  	p0 =	slt.u32 s15, $0x2;
	s22 =	smov.u32 @p1 s3;
	p1 =	sne.s32 s15, s8  }
.Ltmp1:
0x24: {  	s17 =	smov.u32 s13;
	s19 =	simm.s32 @!p0 $0x2;
	(pc) =	sbr.rel @!p1 .LBB1_6-.Ltmp1, $4  }
0x25: {  	s18 =	smov.u32 s14;
	s11 =	sadd.s32 $0x4000, s11;
	_ =	swait.ge @!p0 [sflag:s19], $0x4000  }
0x26: {  	[sflag:s19] =	ssyncset.done @!p0 $0x0;
	s21 =	simm.s32 @p2 $0x0;
	s16 =	smov.u32 s12  }
0x27: {  	[sflag:s19] =	ssyncadd.s32 @!p0 $0xFFFFC000;
	s19 =	smov.u32 s1;
	s12 =	smov.u32 s20  }
0x28: {  	s13 =	smov.u32 s21;
	s15 =	sadd.s32 $0x1, s15;
	s14 =	smov.u32 s22  }
.LBB1_1:
0x29: {  	p0 =	sge.u32 s15, s6  }
0x2a: {  	s20 =	sshll.u32 @!p0 s12, $0x8  }
0x2b: {  	s21 =	sshll.u32 @!p0 s12, $0x7;
	s20 =	sand.u32 @!p0 $0xFFFFF800, s20  }
0x2c: {  	s21 =	sand.u32 @!p0 $0x300, s21;
	s20 =	sor.u32 @!p0 s7, s20  }
0x2d: {  	s20 =	sor.u32 @!p0 s21, s20  }
0x2e: {  	s20 =	sshrl.u32 @!p0 s20, $0x8  }
0x2f: {  	s21 =	smulhi.u32 @!p0 $0x4924925, s20  }
0x30: {  	s22 =	smul.u32 @!p0 $0x38000, s14  }
0x31: {  	s21 =	smul.u32 @!p0 $0x38, s21  }
0x32: {  	s31 =	sadd.s32 $0xFFFFFFFF, s15;
	s23 =	sxor.u32 @!p0 $0xFFFFFFFF, s15;
	s24 =	smul.u32 @!p0 $0x700, s13  }
0x33: {  	s22 =	sadd.s32 @!p0 s4, s22;
	s20 =	ssub.s32 @!p0 s20, s21;
	s21 =	sshll.u32 @!p0 s12, $0x4  }
0x34: {  	s23 =	sshll.u32 @!p0 s23, $0xE;
	s22 =	sadd.s32 @!p0 s24, s22;
	s21 =	sand.u32 @!p0 $0x10, s21  }
0x35: {  	s23 =	sand.u32 @!p0 $0x4000, s23;
	s20 =	sshll.u32 @!p0 s20, $0x5;
	s21 =	sadd.s32 @!p0 s21, s22  }
0x36: {  	s22 =	simm.s32 @!p0 $0x3800;
	s20 =	sadd.s32 @!p0 s20, s21;
	s21 =	simm.s32 @!p0 $0x80  }
0x37: {  	[tilespmem:s23], [sflag:$0x1] =	stream.strided.gather @!p0 [hbm4b:s20+s21], $0x4000, s22, s21, $0x38;
	[tilespmem:$0x10000] =	vst v63  }
0x38: {  	p0 =	sge.u32 s31, s6  }
.Ltmp2:
0x39: {  	_ = 	snop;
	(pc) =	sbr.rel @p0 .LBB1_5-.Ltmp2, $1  }
0x3a: {  	_ =	sdelay $0x3  }
0x3b: {  	s20 =	sand.u32 $0x4000, s11  }
0x3c: {  	s21 =	sor.u32 $0x70, s20  }
0x3d: {  	v1 =	vmov s21;
	_ =	sdelay $0x1  }
0x3e: {  	_ =	swait.ge [sflag:s5], $0x4000  }
0x3f: {  	[sflag:s5] =	ssyncset.done $0x0  }
0x40: {  	s22 =	simm.s32 $0x0;
	[sflag:s5] =	ssyncadd.s32 $0xFFFFC000  }
0x41: {  	s20 =	sor.u32 $0x8040, s20;
	v7 =	vld.idx.msk [tilespmem:v1+s22+$0x0 ss:$0x1], $0xffff  }
0x42: {  	v0 =	vmov s20;
	v8 =	vld.idx.msk [tilespmem:v1+s22+$0xFFFFFF90 ss:$0x1], $0xffff  }
0x43: {  	v6 =	vld.idx.msk [tilespmem:v1+s22+$0xFFFFFFA0 ss:$0x1], $0xffff  }
0x44: {  	v4 =	vld.idx.msk [tilespmem:v1+s22+$0xFFFFFFB0 ss:$0x1], $0xffff  }
0x45: {  	v2 =	vld.idx.msk [tilespmem:v1+s22+$0xFFFFFFC0 ss:$0x1], $0xffff  }
0x46: {  	s31 =	sshll.u32 s15, $0xE;
	v3 =	vld.idx.msk [tilespmem:v1+s22+$0xFFFFFFD0 ss:$0x1], $0xffff  }
0x47: {  	s20 =	sand.u32 $0x4000, s31;
	v5 =	vld.idx.msk [tilespmem:v1+s22+$0xFFFFFFE0 ss:$0x1], $0xffff;
	[tilespmem:v0+s22+$0x30 ss:$0x1] =	vst.idx.msk $0xffff, v7  }
0x48: {  	s23 =	simm.s32 $0x400;
	s21 =	simm.s32 $0x80;
	s20 =	sor.u32 $0x8000, s20;
	[tilespmem:v0+s22+$0xFFFFFFC0 ss:$0x1] =	vst.idx.msk $0xffff, v8;
	v7 =	vld.idx.msk [tilespmem:v1+s22+$0xFFFFFFF0 ss:$0x1], $0xffff  }
.LBB1_3:
0x49: {  	p0 =	sne.s32 s23, $0xFE00;
	v8 =	vld.idx.msk [tilespmem:v1+s21+$0x0 ss:$0x1], $0xffff;
	[tilespmem:v0+s22+$0xFFFFFFD0 ss:$0x1] =	vst.idx.msk $0xffff, v6  }
0x4a: {  	v9 =	vld.idx.msk [tilespmem:v1+s21+$0xFFFFFF90 ss:$0x1], $0xffff;
	[tilespmem:v0+s22+$0xFFFFFFE0 ss:$0x1] =	vst.idx.msk $0xffff, v4  }
0x4b: {  	v6 =	vld.idx.msk [tilespmem:v1+s21+$0xFFFFFFA0 ss:$0x1], $0xffff;
	[tilespmem:v0+s22+$0xFFFFFFF0 ss:$0x1] =	vst.idx.msk $0xffff, v2  }
.Ltmp3:
0x4c: {  	v4 =	vld.idx.msk [tilespmem:v1+s21+$0xFFFFFFB0 ss:$0x1], $0xffff;
	[tilespmem:v0+s22+$0x0 ss:$0x1] =	vst.idx.msk $0xffff, v3;
	(pc) =	sbr.rel @p0 .LBB1_3-.Ltmp3, $4  }
0x4d: {  	v2 =	vld.idx.msk [tilespmem:v1+s21+$0xFFFFFFC0 ss:$0x1], $0xffff;
	[tilespmem:v0+s22+$0x10 ss:$0x1] =	vst.idx.msk $0xffff, v5  }
0x4e: {  	v3 =	vld.idx.msk [tilespmem:v1+s21+$0xFFFFFFD0 ss:$0x1], $0xffff;
	[tilespmem:v0+s22+$0x20 ss:$0x1] =	vst.idx.msk $0xffff, v7;
	s22 =	smov.u32 s21  }
0x4f: {  	v5 =	vld.idx.msk [tilespmem:v1+s22+$0xFFFFFFE0 ss:$0x1], $0xffff;
	[tilespmem:v0+s22+$0x30 ss:$0x1] =	vst.idx.msk $0xffff, v8  }
0x50: {  	s21 =	sshra.s32 s23, $0x2;
	s23 =	sadd.s32 $0x200, s23;
	[tilespmem:v0+s22+$0xFFFFFFC0 ss:$0x1] =	vst.idx.msk $0xffff, v9;
	v7 =	vld.idx.msk [tilespmem:v1+s22+$0xFFFFFFF0 ss:$0x1], $0xffff  }
.Ltmp4:
0x51: {  	_ = 	snop;
	(pc) =	sbr.rel .LBB1_4-.Ltmp4, $1  }
0x52: {  	_ =	sdelay $0x3  }
.LBB1_6:
0x53: {  	_ =	sfence.sel $0x180000  }
0x54: {  	s1 =	simm.s32 $0x1;
	[bflag:$0x0] =	sbarrier.arrive $0xFFFF  }
0x55: {  	s31 =	simm.s32 $0x2;
	[sflag:s1] =	ssyncpa.u1 $0x1  }
0x56: {  	[sflag:s31] =	ssyncpa.u1 $0x1  }
0x57: {  	p0 =	sne.s32 s3, $0x0;
	_ =	strace $0x9000004A  }
0x58: {  	s0 =	sadd.s32 @!p0 $0x100000, s0;
	[bflag:$0x2] =	sbarrier.arrive $0xFFFF  }
0x59: {  	[sflag:s0] =	ssyncadd.tile.s32 @!p0 $0x1;
	_ =	shalt  }
.Lfunc_end1:
_tile_overlayer_lowered:
.L_overlay_start_2:
0x5a: {  	(tag) =	ssettag $0x2  }
0x5b: {  	s0 =	rddreg [dreg:$0x0];
	s2 =	stileid.u32  }
0x5c: {  	s1 =	rddreg [dreg:$0x1];
	p0 =	sne.s32 s2, $0x0  }
0x5d: {  	s3 =	rddreg [dreg:$0x2];
	[bflag:$0x3] =	sbarrier.arrive $0xFFFF;
	s2 =	simm.s32 @!p0 $0x1C01  }
0x5e: {  	[timem:s3], [sflag:s2] =	dma.local @!p0 [hbm:s0], s1  }
0x5f: {  	s0 =	simm.s32 @!p0 $0x1  }
0x60: {  	_ =	swait.ge @!p0 [sflag:s0], s1  }
0x61: {  	s1 =	ssub.s32 @!p0 $0x0, s1;
	[sflag:s0] =	ssyncset.done @!p0 $0x0  }
0x62: {  	[sflag:s0] =	ssyncadd.s32 @!p0 s1  }
0x63: {  	[bflag:$0x3] =	sbarrier.arrive $0xFFFF  }
0x64: {  	_ =	shalt  }

</sc_bundles>
